<compile_context>
chip_gen: v7x
topology: tpu7x:2x2x1
jax: 0.10.2.dev20260603
libtpu: 0.0.44.dev20260713+nightly
codegen_flags: <defaults>
</compile_context>

<pallas_src>
import functools

import jax
import jax.numpy as jnp
from jax import lax
from jax.experimental import pallas as pl
from jax.experimental.pallas import tpu as pltpu
from jax.experimental.pallas import tpu_sc as plsc

_N = 320000
_D = 128
_S = 10000

_B3 = 2560
_NB3 = _N // _B3
_SEGW = 64
_SEGP = 10240

_NC = 2
_NS = 16
_NW = _NC * _NS
_RPW = _N // _NW
_L = 16


def _fused_body(w0_ref, nwin_ref, feats_ref, w_ref, b_ref, ids_ref,
                scores_ref, acc_ref, m_ref, g_ref):
    k = pl.program_id(0)

    @pl.when(k == 0)
    def _():
        acc_ref[...] = jnp.zeros_like(acc_ref)
        g_ref[0] = -jnp.inf

    f = feats_ref[...]
    s_row = lax.dot_general(
        w_ref[...], f, (((1,), (1,)), ((), ())),
        preferred_element_type=jnp.float32) + b_ref[0, 0]
    scores_ref[0, 0, :] = s_row[0]
    bmax = jnp.max(s_row)
    g_old = g_ref[0]

    @pl.when(bmax > g_old)
    def _():
        acc_ref[...] = acc_ref[...] * jnp.exp(g_old - bmax)
        g_ref[0] = bmax
        m_ref[...] = jnp.full((8, 128), bmax, jnp.float32)

    g = g_ref[0]
    e_row = jnp.exp(s_row - g)
    ids = ids_ref[0, 0, :]
    f_bf = f.astype(jnp.bfloat16)
    w0 = w0_ref[k]
    nwin = nwin_ref[k]

    def wbody(o, _):
        basew = (w0 + o) * _SEGW
        rel = ids - basew
        ohs = jnp.where(
            lax.broadcasted_iota(jnp.int32, (_SEGW, _B3), 0) == rel[None, :],
            e_row, 0.0).astype(jnp.bfloat16)
        part = lax.dot_general(
            ohs, f_bf, (((1,), (0,)), ((), ())),
            preferred_element_type=jnp.float32)
        acc_ref[pl.ds(basew, _SEGW), :] += part
        return 0

    lax.fori_loop(0, nwin, wbody, 0)


def _fused_call(w0s, nwins, feats, w_row, b2, ids3):
    return pl.pallas_call(
        _fused_body,
        grid_spec=pltpu.PrefetchScalarGridSpec(
            num_scalar_prefetch=2,
            grid=(_NB3,),
            in_specs=[
                pl.BlockSpec((_B3, _D), lambda k, *_: (k, 0)),
                pl.BlockSpec((1, _D), lambda k, *_: (0, 0)),
                pl.BlockSpec((1, 1), lambda k, *_: (0, 0)),
                pl.BlockSpec((1, 1, _B3), lambda k, *_: (k, 0, 0)),
            ],
            out_specs=[
                pl.BlockSpec((1, 1, _B3), lambda k, *_: (k, 0, 0)),
                pl.BlockSpec((_SEGP, _D), lambda k, *_: (0, 0)),
                pl.BlockSpec((8, 128), lambda k, *_: (0, 0)),
            ],
            scratch_shapes=[pltpu.SMEM((1,), jnp.float32)],
        ),
        out_shape=[
            jax.ShapeDtypeStruct((_NB3, 1, _B3), jnp.float32),
            jax.ShapeDtypeStruct((_SEGP, _D), jnp.float32),
            jax.ShapeDtypeStruct((8, 128), jnp.float32),
        ],
        compiler_params=pltpu.CompilerParams(
            dimension_semantics=("arbitrary",)),
    )(w0s, nwins, feats, w_row, b2, ids3)


def _sc_denom_partials_body(scores_hbm, ids_hbm, m_hbm, part_hbm,
                            sc_v, id_v, acc_v, m_v):
    cid = lax.axis_index("c")
    sid = lax.axis_index("s")
    wid = cid * _NS + sid
    base = wid * _RPW
    pltpu.sync_copy(scores_hbm.at[pl.ds(base, _RPW)], sc_v)
    pltpu.sync_copy(ids_hbm.at[pl.ds(base, _RPW)], id_v)
    pltpu.sync_copy(m_hbm.at[pl.ds(0, _L)], m_v)
    mvec = m_v[...]
    lane = lax.iota(jnp.int32, _L)
    shift = jnp.minimum(lane + 1, _L - 1)

    def zbody(i, _):
        acc_v[pl.ds(i * _L, _L)] = jnp.zeros((_L,), jnp.float32)
        return 0

    lax.fori_loop(0, _SEGP // _L, zbody, 0)

    def body(i, _):
        s = sc_v[pl.ds(i * _L, _L)]
        idx = id_v[pl.ds(i * _L, _L)]
        e = jnp.exp(s - mvec)
        cs = plsc.cumsum(e)
        idx_next = idx.at[shift].get(mode="promise_in_bounds")
        bnd = idx != idx_next
        is_last = bnd | (lane == _L - 1)
        plsc.addupdate_scatter(acc_v, [idx], cs, mask=is_last)
        plsc.addupdate_scatter(acc_v, [idx_next], -cs, mask=bnd)
        return 0

    lax.fori_loop(0, _RPW // _L, body, 0)
    pltpu.sync_copy(acc_v, part_hbm.at[wid])


@functools.lru_cache(maxsize=1)
def _sc_kernels():
    mesh = plsc.VectorSubcoreMesh(
        core_axis_name="c", subcore_axis_name="s",
        num_cores=_NC, num_subcores=_NS)
    denom_partials = pl.kernel(
        _sc_denom_partials_body,
        out_type=jax.ShapeDtypeStruct((_NW, _SEGP), jnp.float32),
        mesh=mesh,
        compiler_params=pltpu.CompilerParams(needs_layout_passes=False),
        scratch_types=[
            pltpu.VMEM((_RPW,), jnp.float32),
            pltpu.VMEM((_RPW,), jnp.int32),
            pltpu.VMEM((_SEGP,), jnp.float32),
            pltpu.VMEM((_L,), jnp.float32),
        ],
    )
    return denom_partials


def _reduce_body(part_ref, den_ref):
    s = jnp.sum(part_ref[...], axis=0, keepdims=True)
    den_ref[...] = jnp.broadcast_to(s, (8, den_ref.shape[1]))


def _reduce_call(part):
    return pl.pallas_call(
        _reduce_body,
        grid=(8,),
        in_specs=[pl.BlockSpec((_NW, _SEGP // 8), lambda k: (0, k))],
        out_specs=pl.BlockSpec((8, _SEGP // 8), lambda k: (0, k)),
        out_shape=jax.ShapeDtypeStruct((8, _SEGP), jnp.float32),
    )(part)


def _expand_body(acc_ref, dcol_ref, out_ref):
    j = pl.program_id(0)
    d = dcol_ref[...]
    inv = jnp.where(d > 0.0, 1.0 / d, 0.0)
    rows = acc_ref[...] * inv
    out_ref[...] = jnp.where(j < _SEGP // _B3, rows, jnp.zeros_like(rows))


def _expand_call(acc, dcol):
    nseg_blocks = _SEGP // _B3
    return pl.pallas_call(
        _expand_body,
        grid=(_NB3,),
        in_specs=[
            pl.BlockSpec((_B3, _D),
                         lambda j: (jnp.minimum(j, nseg_blocks - 1), 0)),
            pl.BlockSpec((_B3, 1),
                         lambda j: (jnp.minimum(j, nseg_blocks - 1), 0)),
        ],
        out_specs=pl.BlockSpec((_B3, _D), lambda j: (j, 0)),
        out_shape=jax.ShapeDtypeStruct((_N, _D), jnp.float32),
    )(acc, dcol)


def kernel(node_feats, batch_index, W, b):
    feats = node_feats.astype(jnp.float32)
    ids = batch_index.astype(jnp.int32)
    w_col = W.reshape(_D, 1).astype(jnp.float32)
    b2 = b.reshape(1, 1).astype(jnp.float32)

    ids_blk = ids.reshape(_NB3, _B3)
    w0s = (ids_blk[:, 0] // _SEGW).astype(jnp.int32)
    nwins = (ids_blk[:, -1] // _SEGW).astype(jnp.int32) - w0s + 1

    scores3, acc, m = _fused_call(w0s, nwins, feats, w_col.reshape(1, _D),
                                  b2, ids.reshape(_NB3, 1, _B3))
    scores = scores3.reshape(_N)
    m_flat = m.reshape(-1)

    part = _sc_kernels()(scores, ids, m_flat)
    den8 = _reduce_call(part)
    dcol = den8[0].reshape(_SEGP, 1)

    return _expand_call(acc, dcol)

# --- scband reference (transcript-rebuilt; emitter-appended) ---
"""Pipeline reference for scband-gated-24592982736976 (READ-ONLY COPY).

The authoritative reference and input builder live on the scoring server;
editing this copy changes nothing except your own understanding.
"""

import jax, jax.numpy as jnp
import numpy as np
from math import sqrt

N = 320000
D = 128
NUM_SEG_IDS = 10000

def setup_inputs(seed: int = 0) -> dict:
    key = jax.random.key(seed)
    k1, k2, k3 = jax.random.split(key, 3)
    node_feats = jax.random.normal(k1, (N, D), dtype=jnp.float32)
    batch_index = jnp.sort(jax.random.randint(k2, (N,), 0, NUM_SEG_IDS, dtype=jnp.int64))
    # nn.Linear(input_dim, 1): weight [1, D], bias [1]; store as W [D, 1], b [1]
    bound = 1.0 / sqrt(D)
    W = jax.random.uniform(k3, (D, 1), dtype=jnp.float32, minval=-bound, maxval=bound)
    b = jnp.zeros((1,), dtype=jnp.float32)
    return {"node_feats": node_feats, "batch_index": batch_index, "W": W, "b": b}

def reference(node_feats, batch_index, W, b):
    n = node_feats.shape[0]
    # scores = self.a(P.node_feats) -> [N, 1]
    scores = (node_feats @ W + b)[:, 0]  # [N]
    # scatter_softmax over segments (dim_size = len(node_feats))
    seg_max = jax.ops.segment_max(scores, batch_index, num_segments=n)
    shifted = scores - seg_max[batch_index]
    ex = jnp.exp(shifted)
    denom = jax.ops.segment_sum(ex, batch_index, num_segments=n)
    alpha = (ex / denom[batch_index])[:, None]  # [N, 1]
    # H = scatter_sum(alpha * node_feats, batch_index, dim_size=len(node_feats))
    H = jax.ops.segment_sum(alpha * node_feats, batch_index, num_segments=n)
    return H

if __name__ == "__main__":
    import jax
    _d = setup_inputs()
    print(jax.jit(kernel)(*tuple(_d.values())))

</pallas_src>

<mosaic_0001>
#map = affine_map<(d0, d1) -> (0)>
#map1 = affine_map<(d0, d1) -> (0, 0)>
module attributes {stable_mosaic.version = 14 : i64} {
  func.func @_sc_denom_partials_body(%arg0: i32, %arg1: i32, %arg2: memref<320000xf32, #tpu.memory_space<hbm>>, %arg3: memref<320000xi32, #tpu.memory_space<hbm>>, %arg4: memref<1024xf32, #tpu.memory_space<hbm>>, %arg5: memref<32x10240xf32, #tpu.memory_space<hbm>>, %arg6: memref<10000xf32, #tpu.memory_space<vmem>>, %arg7: memref<10000xi32, #tpu.memory_space<vmem>>, %arg8: memref<10240xf32, #tpu.memory_space<vmem>>, %arg9: memref<16xf32, #tpu.memory_space<vmem>>) attributes {dimension_semantics = [#tpu.dimension_semantics<core_parallel>, #tpu.dimension_semantics<subcore_parallel>], iteration_bounds = array<i64: 2, 16>, scalar_prefetch = 0 : i64, scratch_operands = 4 : i64, tpu.core_type = #tpu.core_type<sc_vector_subcore>, window_params = [{transform_indices = #map}, {transform_indices = #map}, {transform_indices = #map}, {transform_indices = #map1}]} {
    %mul3A = arith.constant 16 : i32
    %mul3A_0 = arith.muli %arg0, %mul3A : i32
    %add3A = arith.addi %mul3A_0, %arg1 : i32
    %mul3A_1 = arith.constant 10000 : i32
    %mul3A_2 = arith.muli %add3A, %mul3A_1 : i32
    "tpu.region"() ({
      %run_scoped3A = tpu.sem_alloc : memref<!tpu.dma_semaphore, #tpu.memory_space<semaphore_mem>>
      %dma_start3A = tpu.memref_slice %arg2[%mul3A_2] : memref<320000xf32, #tpu.memory_space<hbm>> -> memref<10000xf32, #tpu.memory_space<hbm>>
      %dma_start3A_22 = tpu.memref_slice %arg2[%mul3A_2] : memref<320000xf32, #tpu.memory_space<hbm>> -> memref<10000xf32, #tpu.memory_space<hbm>>
      tpu.enqueue_dma source(%dma_start3A_22 : memref<10000xf32, #tpu.memory_space<hbm>>) target(%arg6 : memref<10000xf32, #tpu.memory_space<vmem>>) target_semaphore(%run_scoped3A : memref<!tpu.dma_semaphore, #tpu.memory_space<semaphore_mem>>)
      %dma_wait3A = tpu.memref_slice %arg2[%mul3A_2] : memref<320000xf32, #tpu.memory_space<hbm>> -> memref<10000xf32, #tpu.memory_space<hbm>>
      %dma_wait3A_23 = tpu.memref_slice %arg2[%mul3A_2] : memref<320000xf32, #tpu.memory_space<hbm>> -> memref<10000xf32, #tpu.memory_space<hbm>>
      tpu.wait_dma2 semaphore(%run_scoped3A : memref<!tpu.dma_semaphore, #tpu.memory_space<semaphore_mem>>) src(%dma_wait3A_23 : memref<10000xf32, #tpu.memory_space<hbm>>) dst(%arg6 : memref<10000xf32, #tpu.memory_space<vmem>>)
      tpu.yield
    }) : () -> ()
    "tpu.region"() ({
      %run_scoped3A = tpu.sem_alloc : memref<!tpu.dma_semaphore, #tpu.memory_space<semaphore_mem>>
      %dma_start3A = tpu.memref_slice %arg3[%mul3A_2] : memref<320000xi32, #tpu.memory_space<hbm>> -> memref<10000xi32, #tpu.memory_space<hbm>>
      %dma_start3A_22 = tpu.memref_slice %arg3[%mul3A_2] : memref<320000xi32, #tpu.memory_space<hbm>> -> memref<10000xi32, #tpu.memory_space<hbm>>
      tpu.enqueue_dma source(%dma_start3A_22 : memref<10000xi32, #tpu.memory_space<hbm>>) target(%arg7 : memref<10000xi32, #tpu.memory_space<vmem>>) target_semaphore(%run_scoped3A : memref<!tpu.dma_semaphore, #tpu.memory_space<semaphore_mem>>)
      %dma_wait3A = tpu.memref_slice %arg3[%mul3A_2] : memref<320000xi32, #tpu.memory_space<hbm>> -> memref<10000xi32, #tpu.memory_space<hbm>>
      %dma_wait3A_23 = tpu.memref_slice %arg3[%mul3A_2] : memref<320000xi32, #tpu.memory_space<hbm>> -> memref<10000xi32, #tpu.memory_space<hbm>>
      tpu.wait_dma2 semaphore(%run_scoped3A : memref<!tpu.dma_semaphore, #tpu.memory_space<semaphore_mem>>) src(%dma_wait3A_23 : memref<10000xi32, #tpu.memory_space<hbm>>) dst(%arg7 : memref<10000xi32, #tpu.memory_space<vmem>>)
      tpu.yield
    }) : () -> ()
    "tpu.region"() ({
      %run_scoped3A = tpu.sem_alloc : memref<!tpu.dma_semaphore, #tpu.memory_space<semaphore_mem>>
      %dma_start3A = arith.constant 0 : i32
      %dma_start3A_22 = tpu.memref_slice %arg4[%dma_start3A] : memref<1024xf32, #tpu.memory_space<hbm>> -> memref<16xf32, #tpu.memory_space<hbm>>
      %dma_start3A_23 = arith.constant 0 : i32
      %dma_start3A_24 = tpu.memref_slice %arg4[%dma_start3A_23] : memref<1024xf32, #tpu.memory_space<hbm>> -> memref<16xf32, #tpu.memory_space<hbm>>
      tpu.enqueue_dma source(%dma_start3A_24 : memref<16xf32, #tpu.memory_space<hbm>>) target(%arg9 : memref<16xf32, #tpu.memory_space<vmem>>) target_semaphore(%run_scoped3A : memref<!tpu.dma_semaphore, #tpu.memory_space<semaphore_mem>>)
      %dma_wait3A = arith.constant 0 : i32
      %dma_wait3A_25 = tpu.memref_slice %arg4[%dma_wait3A] : memref<1024xf32, #tpu.memory_space<hbm>> -> memref<16xf32, #tpu.memory_space<hbm>>
      %dma_wait3A_26 = arith.constant 0 : i32
      %dma_wait3A_27 = tpu.memref_slice %arg4[%dma_wait3A_26] : memref<1024xf32, #tpu.memory_space<hbm>> -> memref<16xf32, #tpu.memory_space<hbm>>
      tpu.wait_dma2 semaphore(%run_scoped3A : memref<!tpu.dma_semaphore, #tpu.memory_space<semaphore_mem>>) src(%dma_wait3A_27 : memref<16xf32, #tpu.memory_space<hbm>>) dst(%arg9 : memref<16xf32, #tpu.memory_space<vmem>>)
      tpu.yield
    }) : () -> ()
    %get3A = arith.constant 0 : index
    %get3A_3 = tpu.vector_load %arg9[%get3A] {strides = array<i32>} : memref<16xf32, #tpu.memory_space<vmem>>, vector<16xf32>,
    %iota3A = tpu.iota {dimensions = array<i32: 0>} : vector<16xi32>
    %add3A_4 = arith.constant 1 : i32
    %add3A_5 = vector.broadcast %add3A_4 : i32 to vector<16xi32>
    %add3A_6 = arith.addi %iota3A, %add3A_5 : vector<16xi32>
    %min3A = arith.constant 15 : i32
    %min3A_7 = vector.broadcast %min3A : i32 to vector<16xi32>
    %min3A_8 = arith.minsi %add3A_6, %min3A_7 : vector<16xi32>
    %scan3A = arith.constant 0 : i32
    %scan3A_9 = arith.constant 0 : i32
    %scan3A_10 = arith.constant 640 : i32
    %scan3A_11 = arith.addi %scan3A_9, %scan3A_10 : i32
    %scan3A_12 = arith.constant 1 : i32
    %scan3A_13 = scf.for %scan3A_22 = %scan3A_9 to %scan3A_11 step %scan3A_12 iter_args(%scan3A_23 = %scan3A) -> (i32)  : i32 {
      %broadcast_in_dim3A = arith.constant 0.000000e+00 : f32
      %broadcast_in_dim3A_24 = vector.broadcast %broadcast_in_dim3A : f32 to vector<16xf32>
      %mul3A_25 = arith.constant 16 : i32
      %mul3A_26 = arith.muli %scan3A_22, %mul3A_25 : i32
      %swap3A = arith.index_cast %mul3A_26 : i32 to index
      %swap3A_27 = tpu.vector_load %arg8[%swap3A] {strides = array<i32>} : memref<10240xf32, #tpu.memory_space<vmem>>, vector<16xf32>,
      tpu.vector_store %arg8[%swap3A], %broadcast_in_dim3A_24 {strides = array<i32>} : memref<10240xf32, #tpu.memory_space<vmem>>, vector<16xf32>,
      %scan3A_28 = arith.constant 0 : i32
      scf.yield %scan3A_28 : i32
    }
    %scan3A_14 = arith.constant 640 : i32
    %scan3A_15 = arith.constant 0 : i32
    %scan3A_16 = arith.constant 0 : i32
    %scan3A_17 = arith.constant 625 : i32
    %scan3A_18 = arith.addi %scan3A_16, %scan3A_17 : i32
    %scan3A_19 = arith.constant 1 : i32
    %scan3A_20 = scf.for %scan3A_22 = %scan3A_16 to %scan3A_18 step %scan3A_19 iter_args(%scan3A_23 = %scan3A_15) -> (i32)  : i32 {
      %mul3A_24 = arith.constant 16 : i32
      %mul3A_25 = arith.muli %scan3A_22, %mul3A_24 : i32
      %get3A_26 = arith.index_cast %mul3A_25 : i32 to index
      %get3A_27 = tpu.vector_load %arg6[%get3A_26] {strides = array<i32>} : memref<10000xf32, #tpu.memory_space<vmem>>, vector<16xf32>,
      %mul3A_28 = arith.constant 16 : i32
      %mul3A_29 = arith.muli %scan3A_22, %mul3A_28 : i32
      %get3A_30 = arith.index_cast %mul3A_29 : i32 to index
      %get3A_31 = tpu.vector_load %arg7[%get3A_30] {strides = array<i32>} : memref<10000xi32, #tpu.memory_space<vmem>>, vector<16xi32>,
      %sub3A = arith.subf %get3A_27, %get3A_3 : vector<16xf32>
      %exp3A = math.exp %sub3A : vector<16xf32>
      %broadcast_in_dim3A = arith.constant true
      %broadcast_in_dim3A_32 = vector.broadcast %broadcast_in_dim3A : i1 to vector<16xi1>
      %masked_cumsum3A = tpu.scan <sum>, %exp3A masked %broadcast_in_dim3A_32 : vector<16xf32>, vector<16xi1> -> vector<16xf32>
      %lt3A = arith.constant 0 : i32
      %lt3A_33 = vector.broadcast %lt3A : i32 to vector<16xi32>
      %lt3A_34 = arith.cmpi slt, %min3A_8, %lt3A_33 : vector<16xi32>
      %add3A_35 = arith.constant 16 : i32
      %add3A_36 = vector.broadcast %add3A_35 : i32 to vector<16xi32>
      %add3A_37 = arith.addi %min3A_8, %add3A_36 : vector<16xi32>
      %select_n3A = arith.select %lt3A_34, %add3A_37, %min3A_8 : vector<16xi1>, vector<16xi32>
      %broadcast_in_dim3A_38 = vector.shape_cast %select_n3A : vector<16xi32> to vector<16x1xi32>
      %gather3A = vector.shape_cast %broadcast_in_dim3A_38 : vector<16x1xi32> to vector<16xi32>
      %gather3A_39 = tpu.dynamic_gather %get3A_31[%gather3A] in [0] : vector<16xi32>, vector<16xi32> -> vector<16xi32>
      %ne3A = arith.cmpi ne, %get3A_31, %gather3A_39 : vector<16xi32>
      %eq3A = arith.constant 15 : i32
      %eq3A_40 = vector.broadcast %eq3A : i32 to vector<16xi32>
      %eq3A_41 = arith.cmpi eq, %iota3A, %eq3A_40 : vector<16xi32>
      %or3A = arith.ori %ne3A, %eq3A_41 : vector<16xi1>
      tpu.vector_store_idx %arg8[%get3A_31], %masked_cumsum3A masked %or3A {add = true} : memref<10240xf32, #tpu.memory_space<vmem>>[vector<16xi32>], vector<16xf32>, vector<16xi1>
      %neg3A = arith.constant 0.000000e+00 : f32
      %neg3A_42 = vector.broadcast %neg3A : f32 to vector<16xf32>
      %neg3A_43 = arith.subf %neg3A_42, %masked_cumsum3A : vector<16xf32>
      tpu.vector_store_idx %arg8[%gather3A_39], %neg3A_43 masked %ne3A {add = true} : memref<10240xf32, #tpu.memory_space<vmem>>[vector<16xi32>], vector<16xf32>, vector<16xi1>
      %scan3A_44 = arith.constant 0 : i32
      scf.yield %scan3A_44 : i32
    }
    %scan3A_21 = arith.constant 625 : i32
    "tpu.region"() ({
      %run_scoped3A = tpu.sem_alloc : memref<!tpu.dma_semaphore, #tpu.memory_space<semaphore_mem>>
      %dma_start3A = arith.constant 0 : i32
      %dma_start3A_22 = tpu.memref_slice %arg5[%add3A, %dma_start3A] : memref<32x10240xf32, #tpu.memory_space<hbm>> -> memref<1x10240xf32, #tpu.memory_space<hbm>>
      %dma_start3A_23 = tpu.memref_squeeze %dma_start3A_22 : memref<1x10240xf32, #tpu.memory_space<hbm>> -> memref<10240xf32, #tpu.memory_space<hbm>>
      %dma_start3A_24 = arith.constant 0 : i32
      %dma_start3A_25 = tpu.memref_slice %arg5[%add3A, %dma_start3A_24] : memref<32x10240xf32, #tpu.memory_space<hbm>> -> memref<1x10240xf32, #tpu.memory_space<hbm>>
      %dma_start3A_26 = tpu.memref_squeeze %dma_start3A_25 : memref<1x10240xf32, #tpu.memory_space<hbm>> -> memref<10240xf32, #tpu.memory_space<hbm>>
      tpu.enqueue_dma source(%arg8 : memref<10240xf32, #tpu.memory_space<vmem>>) target(%dma_start3A_26 : memref<10240xf32, #tpu.memory_space<hbm>>) target_semaphore(%run_scoped3A : memref<!tpu.dma_semaphore, #tpu.memory_space<semaphore_mem>>)
      %dma_wait3A = arith.constant 0 : i32
      %dma_wait3A_27 = tpu.memref_slice %arg5[%add3A, %dma_wait3A] : memref<32x10240xf32, #tpu.memory_space<hbm>> -> memref<1x10240xf32, #tpu.memory_space<hbm>>
      %dma_wait3A_28 = tpu.memref_squeeze %dma_wait3A_27 : memref<1x10240xf32, #tpu.memory_space<hbm>> -> memref<10240xf32, #tpu.memory_space<hbm>>
      %dma_wait3A_29 = arith.constant 0 : i32
      %dma_wait3A_30 = tpu.memref_slice %arg5[%add3A, %dma_wait3A_29] : memref<32x10240xf32, #tpu.memory_space<hbm>> -> memref<1x10240xf32, #tpu.memory_space<hbm>>
      %dma_wait3A_31 = tpu.memref_squeeze %dma_wait3A_30 : memref<1x10240xf32, #tpu.memory_space<hbm>> -> memref<10240xf32, #tpu.memory_space<hbm>>
      tpu.wait_dma2 semaphore(%run_scoped3A : memref<!tpu.dma_semaphore, #tpu.memory_space<semaphore_mem>>) src(%arg8 : memref<10240xf32, #tpu.memory_space<vmem>>) dst(%dma_wait3A_31 : memref<10240xf32, #tpu.memory_space<hbm>>)
      tpu.yield
    }) : () -> ()
    return
  }
}

module attributes {stable_mosaic.version = 14 : i64} {
  func.func @_fused_body(%arg0: i32, %arg1: memref<125xi32, #tpu.memory_space<smem>>, %arg2: memref<125xi32, #tpu.memory_space<smem>>, %arg3: memref<2560x128xf32, #tpu.memory_space<vmem>>, %arg4: memref<1x128xf32, #tpu.memory_space<vmem>>, %arg5: memref<1x1xf32, #tpu.memory_space<vmem>>, %arg6: memref<1x1x2560xi32, #tpu.memory_space<vmem>>, %arg7: memref<1x1x2560xf32, #tpu.memory_space<vmem>>, %arg8: memref<10240x128xf32, #tpu.memory_space<vmem>>, %arg9: memref<8x128xf32, #tpu.memory_space<vmem>>, %arg10: memref<1xf32, #tpu.memory_space<smem>>) attributes {dimension_semantics = [#tpu.dimension_semantics<arbitrary>], iteration_bounds = array<i64: 125>, scalar_prefetch = 2 : i64, scratch_operands = 1 : i64, tpu.core_type = #tpu.core_type<tc>, window_params = [{transform_indices = @transform_0, window_bounds = array<i64: 2560, 128>}, {pipeline_mode = #tpu.pipeline_mode<synchronous>, transform_indices = @transform_1, window_bounds = array<i64: 1, 128>}, {pipeline_mode = #tpu.pipeline_mode<synchronous>, transform_indices = @transform_2, window_bounds = array<i64: 1, 1>}, {transform_indices = @transform_3, window_bounds = array<i64: 1, 1, 2560>}, {transform_indices = @transform_4, window_bounds = array<i64: 1, 1, 2560>}, {pipeline_mode = #tpu.pipeline_mode<synchronous>, transform_indices = @transform_5, window_bounds = array<i64: 10240, 128>}, {pipeline_mode = #tpu.pipeline_mode<synchronous>, transform_indices = @transform_6, window_bounds = array<i64: 8, 128>}]} {
    %eq3A = arith.constant 0 : i32
    %eq3A_0 = arith.cmpi eq, %arg0, %eq3A : i32
    %convert_element_type3A = arith.extui %eq3A_0 : i1 to i32
    %cond3A = arith.constant 0 : i32
    %cond3A_1 = arith.cmpi ne, %convert_element_type3A, %cond3A : i32
    scf.if %cond3A_1 {
      %broadcast_in_dim3A = arith.constant 0.000000e+00 : f32
      %broadcast_in_dim3A_51 = vector.broadcast %broadcast_in_dim3A : f32 to vector<10240x128xf32>
      %swap3A_52 = arith.constant 0 : index
      %swap3A_53 = arith.constant 0 : index
      %swap3A_54 = vector.load %arg8[%swap3A_52, %swap3A_53] : memref<10240x128xf32, #tpu.memory_space<vmem>>, vector<10240x128xf32>
      tpu.vector_store %arg8[%swap3A_52, %swap3A_53], %broadcast_in_dim3A_51 {strides = array<i32>} : memref<10240x128xf32, #tpu.memory_space<vmem>>, vector<10240x128xf32>,
      %swap3A_55 = arith.constant 0xFF800000 : f32
      %swap3A_56 = arith.constant 0 : index
      %swap3A_57 = memref.load %arg10[%swap3A_56] : memref<1xf32, #tpu.memory_space<smem>>
      memref.store %swap3A_55, %arg10[%swap3A_56] : memref<1xf32, #tpu.memory_space<smem>>
    } else {
    }
    %get3A = arith.constant 0 : index
    %get3A_2 = arith.constant 0 : index
    %get3A_3 = vector.load %arg3[%get3A, %get3A_2] : memref<2560x128xf32, #tpu.memory_space<vmem>>, vector<2560x128xf32>
    %get3A_4 = arith.constant 0 : index
    %get3A_5 = arith.constant 0 : index
    %get3A_6 = vector.load %arg4[%get3A_4, %get3A_5] : memref<1x128xf32, #tpu.memory_space<vmem>>, vector<1x128xf32>
    %dot_general3A = arith.constant dense<0.000000e+00> : vector<1x2560xf32>
    %dot_general3A_7 = tpu.matmul %get3A_6, %get3A_3, %dot_general3A {dimension_numbers = #tpu.dot_dimension_numbers<[1], [1], [0], [0], [0, 0, 1, 0], [], []>, transpose_lhs_hint = false} : vector<1x128xf32>, vector<2560x128xf32>, vector<1x2560xf32> -> vector<1x2560xf32>
    %get3A_8 = arith.constant 0 : index
    %get3A_9 = arith.constant 0 : index
    %get3A_10 = vector.load %arg5[%get3A_8, %get3A_9] : memref<1x1xf32, #tpu.memory_space<vmem>>, vector<1x1xf32>
    %get3A_11 = vector.extract %get3A_10[0, 0] : f32 from vector<1x1xf32>
    %add3A = vector.broadcast %get3A_11 : f32 to vector<1x2560xf32>
    %add3A_12 = arith.addf %dot_general3A_7, %add3A : vector<1x2560xf32>
    %squeeze3A = vector.shape_cast %add3A_12 : vector<1x2560xf32> to vector<2560xf32>
    %swap3A = arith.constant 0 : index
    %swap3A_13 = arith.constant 0 : index
    %swap3A_14 = arith.constant 0 : index
    %swap3A_15 = vector.load %arg7[%swap3A, %swap3A_13, %swap3A_14] : memref<1x1x2560xf32, #tpu.memory_space<vmem>>, vector<1x1x2560xf32>
    %swap3A_16 = vector.shape_cast %swap3A_15 : vector<1x1x2560xf32> to vector<2560xf32>
    %swap3A_17 = vector.shape_cast %squeeze3A : vector<2560xf32> to vector<1x1x2560xf32>
    tpu.vector_store %arg7[%swap3A, %swap3A_13, %swap3A_14], %swap3A_17 {strides = array<i32>} : memref<1x1x2560xf32, #tpu.memory_space<vmem>>, vector<1x1x2560xf32>,
    %reduce_max3A = vector.shape_cast %add3A_12 : vector<1x2560xf32> to vector<1x1x2560xf32>
    %reduce_max3A_18 = arith.constant dense<0xFF800000> : vector<1xf32>
    %reduce_max3A_19 = vector.multi_reduction <maximumf>, %reduce_max3A, %reduce_max3A_18 [1, 2] : vector<1x1x2560xf32> to vector<1xf32>
    %reduce_max3A_20 = vector.shape_cast %reduce_max3A_19 : vector<1xf32> to vector<1x1x1xf32>
    %reduce_max3A_21 = vector.extract %reduce_max3A_20[0, 0, 0] : f32 from vector<1x1x1xf32>
    %get3A_22 = arith.constant 0 : index
    %get3A_23 = memref.load %arg10[%get3A_22] : memref<1xf32, #tpu.memory_space<smem>>
    %gt3A = arith.cmpf ogt, %reduce_max3A_21, %get3A_23 : f32
    %convert_element_type3A_24 = arith.extui %gt3A : i1 to i32
    %cond3A_25 = arith.constant 0 : i32
    %cond3A_26 = arith.cmpi ne, %convert_element_type3A_24, %cond3A_25 : i32
    scf.if %cond3A_26 {
      %get3A_51 = arith.constant 0 : index
      %get3A_52 = arith.constant 0 : index
      %get3A_53 = vector.load %arg8[%get3A_51, %get3A_52] : memref<10240x128xf32, #tpu.memory_space<vmem>>, vector<10240x128xf32>
      %sub3A_54 = arith.subf %get3A_23, %reduce_max3A_21 : f32
      %exp3A_55 = math.exp %sub3A_54 : f32
      %mul3A = vector.broadcast %exp3A_55 : f32 to vector<10240x128xf32>
      %mul3A_56 = arith.mulf %get3A_53, %mul3A : vector<10240x128xf32>
      %swap3A_57 = arith.constant 0 : index
      %swap3A_58 = arith.constant 0 : index
      %swap3A_59 = vector.load %arg8[%swap3A_57, %swap3A_58] : memref<10240x128xf32, #tpu.memory_space<vmem>>, vector<10240x128xf32>
      tpu.vector_store %arg8[%swap3A_57, %swap3A_58], %mul3A_56 {strides = array<i32>} : memref<10240x128xf32, #tpu.memory_space<vmem>>, vector<10240x128xf32>,
      %swap3A_60 = arith.constant 0 : index
      %swap3A_61 = memref.load %arg10[%swap3A_60] : memref<1xf32, #tpu.memory_space<smem>>
      memref.store %reduce_max3A_21, %arg10[%swap3A_60] : memref<1xf32, #tpu.memory_space<smem>>
      %broadcast_in_dim3A = vector.broadcast %reduce_max3A_21 : f32 to vector<8x128xf32>
      %swap3A_62 = arith.constant 0 : index
      %swap3A_63 = arith.constant 0 : index
      %swap3A_64 = vector.load %arg9[%swap3A_62, %swap3A_63] : memref<8x128xf32, #tpu.memory_space<vmem>>, vector<8x128xf32>
      tpu.vector_store %arg9[%swap3A_62, %swap3A_63], %broadcast_in_dim3A {strides = array<i32>} : memref<8x128xf32, #tpu.memory_space<vmem>>, vector<8x128xf32>,
    } else {
    }
    %get3A_27 = arith.constant 0 : index
    %get3A_28 = memref.load %arg10[%get3A_27] : memref<1xf32, #tpu.memory_space<smem>>
    %sub3A = vector.broadcast %get3A_28 : f32 to vector<1x2560xf32>
    %sub3A_29 = arith.subf %add3A_12, %sub3A : vector<1x2560xf32>
    %exp3A = math.exp %sub3A_29 : vector<1x2560xf32>
    %get3A_30 = arith.constant 0 : index
    %get3A_31 = arith.constant 0 : index
    %get3A_32 = arith.constant 0 : index
    %get3A_33 = vector.load %arg6[%get3A_30, %get3A_31, %get3A_32] : memref<1x1x2560xi32, #tpu.memory_space<vmem>>, vector<1x1x2560xi32>
    %get3A_34 = vector.shape_cast %get3A_33 : vector<1x1x2560xi32> to vector<2560xi32>
    %convert_element_type3A_35 = arith.truncf %get3A_3 : vector<2560x128xf32> to vector<2560x128xbf16>
    %get3A_36 = arith.index_cast %arg0 : i32 to index
    %get3A_37 = memref.load %arg1[%get3A_36] : memref<125xi32, #tpu.memory_space<smem>>
    %get3A_38 = arith.index_cast %arg0 : i32 to index
    %get3A_39 = memref.load %arg2[%get3A_38] : memref<125xi32, #tpu.memory_space<smem>>
    %while3A = arith.constant 0 : i32
    %while3A_40 = arith.constant 0 : i32
    %while3A_41 = arith.subi %get3A_39, %while3A : i32
    %while3A_42 = arith.addi %while3A, %while3A_41 : i32
    %while3A_43 = arith.constant 1 : i32
    %while3A_44 = arith.divsi %while3A_41, %while3A_43 : i32
    %while3A_45 = arith.muli %while3A_44, %while3A_43 : i32
    %while3A_46 = arith.addi %while3A, %while3A_45 : i32
    %while3A_47 = arith.constant 1 : i32
    %while3A_48 = scf.for %while3A_51 = %while3A to %while3A_46 step %while3A_47 iter_args(%while3A_52 = %while3A_40) -> (i32)  : i32 {
      %add3A_53 = arith.addi %get3A_37, %while3A_51 : i32
      %mul3A = arith.constant 64 : i32
      %mul3A_54 = arith.muli %add3A_53, %mul3A : i32
      %sub3A_55 = vector.broadcast %mul3A_54 : i32 to vector<2560xi32>
      %sub3A_56 = arith.subi %get3A_34, %sub3A_55 : vector<2560xi32>
      %iota3A = tpu.iota {dimensions = array<i32: 0>} : vector<64x2560xi32>
      %broadcast_in_dim3A = vector.shape_cast %sub3A_56 : vector<2560xi32> to vector<1x2560xi32>
      %eq3A_57 = vector.broadcast %broadcast_in_dim3A : vector<1x2560xi32> to vector<64x2560xi32>
      %eq3A_58 = arith.cmpi eq, %iota3A, %eq3A_57 : vector<64x2560xi32>
      %jit3A = arith.constant 0.000000e+00 : f32
      %broadcast_in_dim3A_59 = vector.shape_cast %exp3A : vector<1x2560xf32> to vector<1x2560xf32>
      %broadcast_in_dim3A_60 = vector.broadcast %broadcast_in_dim3A_59 : vector<1x2560xf32> to vector<64x2560xf32>
      %broadcast_in_dim3A_61 = vector.broadcast %jit3A : f32 to vector<64x2560xf32>
      %select_n3A = arith.select %eq3A_58, %broadcast_in_dim3A_60, %broadcast_in_dim3A_61 : vector<64x2560xi1>, vector<64x2560xf32>
      %convert_element_type3A_62 = arith.truncf %select_n3A : vector<64x2560xf32> to vector<64x2560xbf16>
      %dot_general3A_63 = arith.constant dense<0.000000e+00> : vector<64x128xf32>
      %dot_general3A_64 = tpu.matmul %convert_element_type3A_62, %convert_element_type3A_35, %dot_general3A_63 {dimension_numbers = #tpu.dot_dimension_numbers<[1], [0], [0], [1], [0, 0, 1, 1], [], []>, transpose_lhs_hint = false} : vector<64x2560xbf16>, vector<2560x128xbf16>, vector<64x128xf32> -> vector<64x128xf32>
      %get3A_65 = arith.index_cast %mul3A_54 : i32 to index
      %get3A_66 = arith.constant 0 : index
      %get3A_67 = vector.load %arg8[%get3A_65, %get3A_66] : memref<10240x128xf32, #tpu.memory_space<vmem>>, vector<64x128xf32>
      %add3A_68 = arith.addf %get3A_67, %dot_general3A_64 : vector<64x128xf32>
      %swap3A_69 = arith.index_cast %mul3A_54 : i32 to index
      %swap3A_70 = arith.constant 0 : index
      %swap3A_71 = vector.load %arg8[%swap3A_69, %swap3A_70] : memref<10240x128xf32, #tpu.memory_space<vmem>>, vector<64x128xf32>
      tpu.vector_store %arg8[%swap3A_69, %swap3A_70], %add3A_68 {strides = array<i32>} : memref<10240x128xf32, #tpu.memory_space<vmem>>, vector<64x128xf32>,
      %while3A_72 = arith.constant 0 : i32
      scf.yield %while3A_72 : i32
    }
    %while3A_49 = arith.constant 1 : i32
    %while3A_50 = scf.for %while3A_51 = %while3A_46 to %while3A_42 step %while3A_49 iter_args(%while3A_52 = %while3A_48) -> (i32)  : i32 {
      %add3A_53 = arith.addi %get3A_37, %while3A_51 : i32
      %mul3A = arith.constant 64 : i32
      %mul3A_54 = arith.muli %add3A_53, %mul3A : i32
      %sub3A_55 = vector.broadcast %mul3A_54 : i32 to vector<2560xi32>
      %sub3A_56 = arith.subi %get3A_34, %sub3A_55 : vector<2560xi32>
      %iota3A = tpu.iota {dimensions = array<i32: 0>} : vector<64x2560xi32>
      %broadcast_in_dim3A = vector.shape_cast %sub3A_56 : vector<2560xi32> to vector<1x2560xi32>
      %eq3A_57 = vector.broadcast %broadcast_in_dim3A : vector<1x2560xi32> to vector<64x2560xi32>
      %eq3A_58 = arith.cmpi eq, %iota3A, %eq3A_57 : vector<64x2560xi32>
      %jit3A = arith.constant 0.000000e+00 : f32
      %broadcast_in_dim3A_59 = vector.shape_cast %exp3A : vector<1x2560xf32> to vector<1x2560xf32>
      %broadcast_in_dim3A_60 = vector.broadcast %broadcast_in_dim3A_59 : vector<1x2560xf32> to vector<64x2560xf32>
      %broadcast_in_dim3A_61 = vector.broadcast %jit3A : f32 to vector<64x2560xf32>
      %select_n3A = arith.select %eq3A_58, %broadcast_in_dim3A_60, %broadcast_in_dim3A_61 : vector<64x2560xi1>, vector<64x2560xf32>
      %convert_element_type3A_62 = arith.truncf %select_n3A : vector<64x2560xf32> to vector<64x2560xbf16>
      %dot_general3A_63 = arith.constant dense<0.000000e+00> : vector<64x128xf32>
      %dot_general3A_64 = tpu.matmul %convert_element_type3A_62, %convert_element_type3A_35, %dot_general3A_63 {dimension_numbers = #tpu.dot_dimension_numbers<[1], [0], [0], [1], [0, 0, 1, 1], [], []>, transpose_lhs_hint = false} : vector<64x2560xbf16>, vector<2560x128xbf16>, vector<64x128xf32> -> vector<64x128xf32>
      %get3A_65 = arith.index_cast %mul3A_54 : i32 to index
      %get3A_66 = arith.constant 0 : index
      %get3A_67 = vector.load %arg8[%get3A_65, %get3A_66] : memref<10240x128xf32, #tpu.memory_space<vmem>>, vector<64x128xf32>
      %add3A_68 = arith.addf %get3A_67, %dot_general3A_64 : vector<64x128xf32>
      %swap3A_69 = arith.index_cast %mul3A_54 : i32 to index
      %swap3A_70 = arith.constant 0 : index
      %swap3A_71 = vector.load %arg8[%swap3A_69, %swap3A_70] : memref<10240x128xf32, #tpu.memory_space<vmem>>, vector<64x128xf32>
      tpu.vector_store %arg8[%swap3A_69, %swap3A_70], %add3A_68 {strides = array<i32>} : memref<10240x128xf32, #tpu.memory_space<vmem>>, vector<64x128xf32>,
      %while3A_72 = arith.constant 0 : i32
      scf.yield %while3A_72 : i32
    }
    return
  }
  func.func @transform_0(%arg0: i32, %arg1: memref<125xi32, #tpu.memory_space<smem>>, %arg2: memref<125xi32, #tpu.memory_space<smem>>) -> (i32, i32) {
    %c0_i32 = arith.constant 0 : i32
    %c0_i32_0 = arith.constant 0 : i32
    return %arg0, %c0_i32 : i32, i32
  }
  func.func @transform_1(%arg0: i32, %arg1: memref<125xi32, #tpu.memory_space<smem>>, %arg2: memref<125xi32, #tpu.memory_space<smem>>) -> (i32, i32) {
    %c0_i32 = arith.constant 0 : i32
    %c0_i32_0 = arith.constant 0 : i32
    %c0_i32_1 = arith.constant 0 : i32
    return %c0_i32, %c0_i32_0 : i32, i32
  }
  func.func @transform_2(%arg0: i32, %arg1: memref<125xi32, #tpu.memory_space<smem>>, %arg2: memref<125xi32, #tpu.memory_space<smem>>) -> (i32, i32) {
    %c0_i32 = arith.constant 0 : i32
    %c0_i32_0 = arith.constant 0 : i32
    %c0_i32_1 = arith.constant 0 : i32
    return %c0_i32, %c0_i32_0 : i32, i32
  }
  func.func @transform_3(%arg0: i32, %arg1: memref<125xi32, #tpu.memory_space<smem>>, %arg2: memref<125xi32, #tpu.memory_space<smem>>) -> (i32, i32, i32) {
    %c0_i32 = arith.constant 0 : i32
    %c0_i32_0 = arith.constant 0 : i32
    %c0_i32_1 = arith.constant 0 : i32
    return %arg0, %c0_i32, %c0_i32_0 : i32, i32, i32
  }
  func.func @transform_4(%arg0: i32, %arg1: memref<125xi32, #tpu.memory_space<smem>>, %arg2: memref<125xi32, #tpu.memory_space<smem>>) -> (i32, i32, i32) {
    %c0_i32 = arith.constant 0 : i32
    %c0_i32_0 = arith.constant 0 : i32
    %c0_i32_1 = arith.constant 0 : i32
    return %arg0, %c0_i32, %c0_i32_0 : i32, i32, i32
  }
  func.func @transform_5(%arg0: i32, %arg1: memref<125xi32, #tpu.memory_space<smem>>, %arg2: memref<125xi32, #tpu.memory_space<smem>>) -> (i32, i32) {
    %c0_i32 = arith.constant 0 : i32
    %c0_i32_0 = arith.constant 0 : i32
    %c0_i32_1 = arith.constant 0 : i32
    return %c0_i32, %c0_i32_0 : i32, i32
  }
  func.func @transform_6(%arg0: i32, %arg1: memref<125xi32, #tpu.memory_space<smem>>, %arg2: memref<125xi32, #tpu.memory_space<smem>>) -> (i32, i32) {
    %c0_i32 = arith.constant 0 : i32
    %c0_i32_0 = arith.constant 0 : i32
    %c0_i32_1 = arith.constant 0 : i32
    return %c0_i32, %c0_i32_0 : i32, i32
  }
}

module attributes {stable_mosaic.version = 14 : i64} {
  func.func @_reduce_body(%arg0: i32, %arg1: memref<32x1280xf32, #tpu.memory_space<vmem>>, %arg2: memref<8x1280xf32, #tpu.memory_space<vmem>>) attributes {dimension_semantics = [#tpu.dimension_semantics<arbitrary>], iteration_bounds = array<i64: 8>, scalar_prefetch = 0 : i64, scratch_operands = 0 : i64, tpu.core_type = #tpu.core_type<tc>, window_params = [{transform_indices = @transform_0, window_bounds = array<i64: 32, 1280>}, {transform_indices = @transform_1, window_bounds = array<i64: 8, 1280>}]} {
    %get3A = arith.constant 0 : index
    %get3A_0 = arith.constant 0 : index
    %get3A_1 = vector.load %arg1[%get3A, %get3A_0] : memref<32x1280xf32, #tpu.memory_space<vmem>>, vector<32x1280xf32>
    %reduce_sum3A = arith.constant dense<0.000000e+00> : vector<1280xf32>
    %reduce_sum3A_2 = vector.multi_reduction <add>, %get3A_1, %reduce_sum3A [0] : vector<32x1280xf32> to vector<1280xf32>
    %broadcast_in_dim3A = vector.shape_cast %reduce_sum3A_2 : vector<1280xf32> to vector<1x1280xf32>
    %broadcast_in_dim3A_3 = vector.shape_cast %broadcast_in_dim3A : vector<1x1280xf32> to vector<1x1280xf32>
    %broadcast_in_dim3A_4 = vector.broadcast %broadcast_in_dim3A_3 : vector<1x1280xf32> to vector<8x1280xf32>
    %swap3A = arith.constant 0 : index
    %swap3A_5 = arith.constant 0 : index
    %swap3A_6 = vector.load %arg2[%swap3A, %swap3A_5] : memref<8x1280xf32, #tpu.memory_space<vmem>>, vector<8x1280xf32>
    tpu.vector_store %arg2[%swap3A, %swap3A_5], %broadcast_in_dim3A_4 {strides = array<i32>} : memref<8x1280xf32, #tpu.memory_space<vmem>>, vector<8x1280xf32>,
    return
  }
  func.func @transform_0(%arg0: i32) -> (i32, i32) {
    %c0_i32 = arith.constant 0 : i32
    %c0_i32_0 = arith.constant 0 : i32
    return %c0_i32, %arg0 : i32, i32
  }
  func.func @transform_1(%arg0: i32) -> (i32, i32) {
    %c0_i32 = arith.constant 0 : i32
    %c0_i32_0 = arith.constant 0 : i32
    return %c0_i32, %arg0 : i32, i32
  }
}

module attributes {stable_mosaic.version = 14 : i64} {
  func.func @_expand_body(%arg0: i32, %arg1: memref<2560x128xf32, #tpu.memory_space<vmem>>, %arg2: memref<2560x1xf32, #tpu.memory_space<vmem>>, %arg3: memref<2560x128xf32, #tpu.memory_space<vmem>>) attributes {dimension_semantics = [#tpu.dimension_semantics<arbitrary>], iteration_bounds = array<i64: 125>, scalar_prefetch = 0 : i64, scratch_operands = 0 : i64, tpu.core_type = #tpu.core_type<tc>, window_params = [{transform_indices = @transform_0, window_bounds = array<i64: 2560, 128>}, {transform_indices = @transform_1, window_bounds = array<i64: 2560, 1>}, {transform_indices = @transform_2, window_bounds = array<i64: 2560, 128>}]} {
    %get3A = arith.constant 0 : index
    %get3A_0 = arith.constant 0 : index
    %get3A_1 = vector.load %arg2[%get3A, %get3A_0] : memref<2560x1xf32, #tpu.memory_space<vmem>>, vector<2560x1xf32>
    %gt3A = arith.constant 0.000000e+00 : f32
    %gt3A_2 = vector.broadcast %gt3A : f32 to vector<2560x1xf32>
    %gt3A_3 = arith.cmpf ogt, %get3A_1, %gt3A_2 : vector<2560x1xf32>
    %div3A = arith.constant 1.000000e+00 : f32
    %div3A_4 = vector.broadcast %div3A : f32 to vector<2560x1xf32>
    %div3A_5 = arith.divf %div3A_4, %get3A_1 : vector<2560x1xf32>
    %jit3A = arith.constant 0.000000e+00 : f32
    %broadcast_in_dim3A = vector.broadcast %jit3A : f32 to vector<2560x1xf32>
    %select_n3A = arith.select %gt3A_3, %div3A_5, %broadcast_in_dim3A : vector<2560x1xi1>, vector<2560x1xf32>
    %get3A_6 = arith.constant 0 : index
    %get3A_7 = arith.constant 0 : index
    %get3A_8 = vector.load %arg1[%get3A_6, %get3A_7] : memref<2560x128xf32, #tpu.memory_space<vmem>>, vector<2560x128xf32>
    %mul3A = vector.broadcast %select_n3A : vector<2560x1xf32> to vector<2560x128xf32>
    %mul3A_9 = arith.mulf %get3A_8, %mul3A : vector<2560x128xf32>
    %lt3A = arith.constant 4 : i32
    %lt3A_10 = arith.cmpi slt, %arg0, %lt3A : i32
    %broadcast_in_dim3A_11 = arith.constant 0.000000e+00 : f32
    %broadcast_in_dim3A_12 = vector.broadcast %broadcast_in_dim3A_11 : f32 to vector<2560x128xf32>
    %select_n3A_13 = arith.select %lt3A_10, %mul3A_9, %broadcast_in_dim3A_12 : vector<2560x128xf32>
    %swap3A = arith.constant 0 : index
    %swap3A_14 = arith.constant 0 : index
    %swap3A_15 = vector.load %arg3[%swap3A, %swap3A_14] : memref<2560x128xf32, #tpu.memory_space<vmem>>, vector<2560x128xf32>
    tpu.vector_store %arg3[%swap3A, %swap3A_14], %select_n3A_13 {strides = array<i32>} : memref<2560x128xf32, #tpu.memory_space<vmem>>, vector<2560x128xf32>,
    return
  }
  func.func @transform_0(%arg0: i32) -> (i32, i32) {
    %min3A = arith.constant 3 : i32
    %min3A_0 = arith.minsi %arg0, %min3A : i32
    %c0_i32 = arith.constant 0 : i32
    %c0_i32_1 = arith.constant 0 : i32
    return %min3A_0, %c0_i32 : i32, i32
  }
  func.func @transform_1(%arg0: i32) -> (i32, i32) {
    %min3A = arith.constant 3 : i32
    %min3A_0 = arith.minsi %arg0, %min3A : i32
    %c0_i32 = arith.constant 0 : i32
    %c0_i32_1 = arith.constant 0 : i32
    return %min3A_0, %c0_i32 : i32, i32
  }
  func.func @transform_2(%arg0: i32) -> (i32, i32) {
    %c0_i32 = arith.constant 0 : i32
    %c0_i32_0 = arith.constant 0 : i32
    return %arg0, %c0_i32 : i32, i32
  }
}

</mosaic_0001>

<sc_bundles>
// kernel: kernel.6.cloned.1.call-start
scs
__scs_entry_jumppad:
0x0: {  	(pc) =	sbr.rel $0x88, $3  }
0x1: {  	(tag) =	ssettag $0x0;
	lr =	simm.s32 $0x1  }
0x2: {  	[smem:$0x3F9D] =	sst lr;
	_ =	strace $0xD0000000  }
0x3: {  	_ = 	snop  }
0x4: {  	_ = 	snop  }
0x5: {  	_ = 	snop  }
0x6: {  	_ = 	snop  }
0x7: {  	_ = 	snop  }
__scs_overlays_trampoline_lowered:
0x8: {  	[smem:$0x3FAC] =	sst s0  }
0x9: {  	[smem:$0x3FAD] =	sst s1  }
0xa: {  	[smem:$0x3FAE] =	sst s2  }
0xb: {  	[smem:$0x3FAF] =	sst s3  }
0xc: {  	[smem:$0x3FB0] =	sst s4  }
0xd: {  	[smem:$0x3FB1] =	sst s5  }
0xe: {  	[smem:$0x3FB2] =	sst s6  }
0xf: {  	[smem:$0x3FB3] =	sst s7  }
0x10: {  	[smem:$0x3FB4] =	sst s8  }
0x11: {  	[smem:$0x3FB5] =	sst s9;
	s0 =	simm.s32 @!p0 $0x0  }
0x12: {  	s1 =	sld [smem:$0x3F9B];
	s0 =	simm.s32 @p0 $0x1  }
0x13: {  	[smem:$0x3FB6] =	sst s0;
	s0 =	simm.s32 @!p1 $0x0  }
0x14: {  	s2 =	sld [smem:$0x3F9A];
	s0 =	simm.s32 @p1 $0x1  }
0x15: {  	[smem:$0x3FB7] =	sst s0;
	s0 =	simm.s32 @!p2 $0x0  }
0x16: {  	s3 =	sld [smem:$0x3FDB];
	s0 =	simm.s32 @p2 $0x1  }
0x17: {  	s4 =	simm.s32 $0x1BF5;
	[smem:$0x3FB9] =	sst s0  }
0x18: {  	s0 =	sld [smem:$0x3F9C];
	_ =	swait.ge [sflag:s4], $0x0  }
0x19: {  	s7 =	sld [smem:$0x3F9D]  }
0x1a: {  	s8 =	sadd.s32 $0xFFFFE003, lr  }
0x1b: {  	s9 =	sadd.s32 $0xFFFFFEF7, lr;
	s5 =	simm.s32 $0xFFFFFFFF;
	p2 =	slt.u32 s8, $0xFFFFF086  }
0x1c: {  	p1 =	slt.u32 s9, $0xF7A;
	s5 =	simm.s32 @!p2 $0x0  }
0x1d: {  	s5 =	simm.s32 @p1 $0x1;
	p0 =	seq.s32 s7, s2  }
0x1e: {  	s7 =	smul.u32 @!p0 $0xF7A, s2;
	p2 =	seq.s32 @!p0 s5, $0x0  }
0x1f: {  	s9 =	smul.u32 $0xF7A, s1;
	s8 =	simm.s32 @!p0 $0x1BF5;
	p2 =	por !p2, p0  }
0x20: {  	[sflag:s8] =	ssyncset.s32 @!p0 $0xFFFFF086;
	s6 =	sadd.s32 @!p0 s3, s7;
	s7 =	simm.s32 @!p0 $0x108  }
0x21: {  	s3 =	sadd.s32 s3, s9;
	s6 =	sadd.s32 @!p0 $0x88, s6;
	s7 =	simm.s32 @p2 $0x1082  }
0x22: {  	[simem:s7], [sflag:s8] =	dma.local @!p0 [hbm:s6], $0xF7A  }
0x23: {  	s9 =	sor.u32 $0xD0000000, s2;
	s6 =	simm.s32 $0x108;
	_ =	swait.ge @!p0 [sflag:s8], $0x0  }
0x24: {  	s3 =	sadd.s32 $0x88, s3;
	s6 =	simm.s32 @!p1 $0x1082;
	[sflag:s4] =	ssyncset.s32 $0xFFFFF086  }
0x25: {  	[simem:s6], [sflag:s4] =	dma.local [hbm:s3], $0xF7A  }
0x26: {  	[smem:$0x3F9D] =	sst s1;
	(tag) =	ssettag s2;
	_ =	strace s9  }
0x27: {  	s1 =	sld [smem:$0x3FAD]  }
0x28: {  	s2 =	sld [smem:$0x3FAE]  }
0x29: {  	s4 =	sld [smem:$0x3FB0]  }
0x2a: {  	p0 =	seq.s32 s5, $0x0;
	s5 =	sld [smem:$0x3FB1]  }
0x2b: {  	s6 =	sld [smem:$0x3FB2]  }
0x2c: {  	s7 =	sld [smem:$0x3FB3]  }
0x2d: {  	s3 =	simm.s32 $0x108;
	s8 =	sld [smem:$0x3FB4]  }
0x2e: {  	s3 =	simm.s32 @!p0 $0x1082;
	s9 =	sld [smem:$0x3FB5]  }
0x2f: {  	lr =	sadd.s32 s0, s3;
	s0 =	sld [smem:$0x3FAC]  }
0x30: {  	s3 =	sld [smem:$0x3FAF]  }
0x31: {  	[smem:$0x3FB8] =	sst s10  }
0x32: {  	s10 =	sld [smem:$0x3FB6];
	_ =	sdelay $0x3  }
0x33: {  	p0 =	seq.s32 s10, $0x1;
	s10 =	sld [smem:$0x3FB8];
	_ =	sdelay $0x3  }
0x34: {  	[smem:$0x3FB8] =	sst s10  }
0x35: {  	s10 =	sld [smem:$0x3FB7];
	_ =	sdelay $0x3  }
0x36: {  	p1 =	seq.s32 s10, $0x1;
	s10 =	sld [smem:$0x3FB8];
	_ =	sdelay $0x3  }
0x37: {  	[smem:$0x3FB8] =	sst s10  }
0x38: {  	s10 =	sld [smem:$0x3FB9]  }
0x39: {  	_ = 	snop;
	(pc) =	sbr.ind lr, $3  }
0x3a: {  	_ = 	snop  }
0x3b: {  	_ = 	snop  }
0x3c: {  	p2 =	seq.s32 s10, $0x1;
	s10 =	sld [smem:$0x3FB8]  }
0x3d: {  	_ =	shalt  }
0x3e: {  	_ =	shalt  }
0x3f: {  	_ =	shalt  }
0x40: {  	_ =	shalt  }
0x41: {  	_ =	shalt  }
0x42: {  	_ =	shalt  }
0x43: {  	_ =	shalt  }
0x44: {  	_ =	shalt  }
0x45: {  	_ =	shalt  }
0x46: {  	_ =	shalt  }
0x47: {  	_ =	shalt  }
0x48: {  	_ =	shalt  }
0x49: {  	_ =	shalt  }
0x4a: {  	_ =	shalt  }
0x4b: {  	_ =	shalt  }
0x4c: {  	_ =	shalt  }
0x4d: {  	_ =	shalt  }
0x4e: {  	_ =	shalt  }
0x4f: {  	_ =	shalt  }
0x50: {  	_ =	shalt  }
0x51: {  	_ =	shalt  }
0x52: {  	_ =	shalt  }
0x53: {  	_ =	shalt  }
0x54: {  	_ =	shalt  }
0x55: {  	_ =	shalt  }
0x56: {  	_ =	shalt  }
0x57: {  	_ =	shalt  }
0x58: {  	_ =	shalt  }
0x59: {  	_ =	shalt  }
0x5a: {  	_ =	shalt  }
0x5b: {  	_ =	shalt  }
0x5c: {  	_ =	shalt  }
0x5d: {  	_ =	shalt  }
0x5e: {  	_ =	shalt  }
0x5f: {  	_ =	shalt  }
0x60: {  	_ =	shalt  }
0x61: {  	_ =	shalt  }
0x62: {  	_ =	shalt  }
0x63: {  	_ =	shalt  }
0x64: {  	_ =	shalt  }
0x65: {  	_ =	shalt  }
0x66: {  	_ =	shalt  }
0x67: {  	_ =	shalt  }
0x68: {  	_ =	shalt  }
0x69: {  	_ =	shalt  }
0x6a: {  	_ =	shalt  }
0x6b: {  	_ =	shalt  }
0x6c: {  	_ =	shalt  }
0x6d: {  	_ =	shalt  }
0x6e: {  	_ =	shalt  }
0x6f: {  	_ =	shalt  }
0x70: {  	_ =	shalt  }
0x71: {  	_ =	shalt  }
0x72: {  	_ =	shalt  }
0x73: {  	_ =	shalt  }
0x74: {  	_ =	shalt  }
0x75: {  	_ =	shalt  }
0x76: {  	_ =	shalt  }
0x77: {  	_ =	shalt  }
0x78: {  	_ =	shalt  }
0x79: {  	_ =	shalt  }
0x7a: {  	_ =	shalt  }
0x7b: {  	_ =	shalt  }
0x7c: {  	_ =	shalt  }
0x7d: {  	_ =	shalt  }
0x7e: {  	_ =	shalt  }
0x7f: {  	_ =	shalt  }
0x80: {  	_ =	shalt  }
0x81: {  	_ =	shalt  }
0x82: {  	_ =	shalt  }
0x83: {  	_ =	shalt  }
0x84: {  	_ =	shalt  }
0x85: {  	_ =	shalt  }
0x86: {  	_ =	shalt  }
0x87: {  	_ =	shalt  }
.Lfunc_end0:
.L_simem_size_0:
called_computation_lowered:
.L_overlay_start_0:
0x88: {  	s2 =	sld [smem:$0x3FD9]  }
0x89: {  	s3 =	sld [smem:$0x3FFE];
	_ =	sdelay $0x1  }
0x8a: {  	s1 =	srdreg.scid  }
0x8b: {  	s0 =	sand.u32 $0x1, s1  }
0x8c: {  	s17 =	sshll.u32 s0, $0xA;
	s2 =	sadd.s32 s3, s2  }
0x8d: {  	s2 =	sadd.s32 s2, s17  }
0x8e: {  	[smem:$0x3FC4] =	sst s2  }
0x8f: {  	_ = 	snop  }
0x90: {  	s2 =	sld [smem:$0x3FC8]  }
0x91: {  	s18 =	sld [smem:$0x3FD0];
	(tm) =	ssettm $0x1  }
0x92: {  	s4 =	sld [smem:$0x3FFB];
	_ =	sdelay $0x3  }
0x93: {  	_ =	strace s4  }
0x94: {  	s4 =	sld [smem:$0x3FFC];
	_ =	sdelay $0x3  }
0x95: {  	_ =	strace s4  }
0x96: {  	s4 =	sld [smem:$0x3FFD];
	_ =	sdelay $0x3  }
0x97: {  	_ =	strace s4  }
0x98: {  	_ =	strace $0x8FFFFFFF  }
0x99: {  	s19 =	sld [smem:$0x3FDB];
	_ =	sdelay $0x1  }
0x9a: {  	s5 =	simm.s32 $_scs_section_size  }
0x9b: {  	s6 =	simm.s32 $_size__tile_overlayer_lowered;
	s7 =	simm.s32 $_tile_overlayer_lowered  }
0x9c: {  	s22 =	simm.s32 $0x1BFF;
	s21 =	sshll.u32 s7, $0x1;
	s4 =	sadd.s32 s5, s19  }
0x9d: {  	s8 =	simm.s32 $0x0;
	s20 =	sshll.u32 s6, $0x1;
	s6 =	sadd.s32 s21, s4  }
0x9e: {  	[timem:s8], [sflag:s22] =	dma.local [hbm:s6], s20  }
0x9f: {  	_ =	swait.ge [sflag:s22], s20  }
0xa0: {  	s5 =	ssub.s32 $0x0, s20;
	[sflag:s22] =	ssyncset.done $0x0  }
0xa1: {  	[sflag:s22] =	ssyncadd.s32 s5;
	_ =	sdelay $0x1  }
0xa2: {  	s23 =	simm.s32 $0x1B8B  }
0xa3: {  	_ =	swait.ge [sflag:s23], $0x1  }
0xa4: {  	[sflag:s23] =	ssyncset.done $0x0  }
0xa5: {  	s25 =	simm.s32 $0x1B8E;
	s24 =	sld [smem:$0x3FFE];
	[sflag:s23] =	ssyncadd.s32 $0xFFFFFFFF  }
0xa6: {  	s26 =	simm.s32 $execute0_lowered;
	[smem:$0x3FD2] =	sst s25  }
0xa7: {  	s6 =	sshll.u32 s26, $0x1;
	_ =	strace $0x80000046;
	[dreg:$0x1] =	wrdreg $0xFFFFFFFF  }
0xa8: {  	s28 =	simm.s32 $_size_execute0_lowered;
	s4 =	sadd.s32 s4, s6;
	[dreg:$0x0] =	wrdreg $0x0  }
0xa9: {  	s6 =	sshll.u32 s28, $0x1;
	[dreg:$0x2] =	wrdreg s4  }
0xaa: {  	[dreg:$0x3] =	wrdreg s6  }
0xab: {  	[dreg:$0x4] =	wrdreg $0xC0  }
0xac: {  	_ =	task [dreg:s8], $0x5FFFF  }
0xad: {  	[dreg:$0x1] =	wrdreg $0xFFFFFFFF  }
0xae: {  	[dreg:$0x0] =	wrdreg $0x60  }
0xaf: {  	[dreg:$0x2] =	wrdreg s24  }
0xb0: {  	[dreg:$0x3] =	wrdreg s2  }
0xb1: {  	[dreg:$0x4] =	wrdreg s18  }
0xb2: {  	[dreg:$0x5] =	wrdreg $0x9  }
0xb3: {  	_ =	task.clear_ibuf [dreg:s8], $0x6FFFF;
	_ =	strace $0x90000046  }
0xb4: {  	s29 =	simm.s32 $0x9;
	_ =	strace $0x80000048  }
0xb5: {  	_ =	swait.ge [sflag:s29], $0x1  }
0xb6: {  	[sflag:s29] =	ssyncadd.s32 $0xFFFFFFFF  }
0xb7: {  	_ =	strace $0x90000048  }
0xb8: {  	_ =	sfence  }
0xb9: {  	s30 =	sld [smem:$0x0];
	_ =	sdelay $0x2  }
0xba: {  	s31 =	sshll.u32 s1, $0xD;
	s1 =	sshrl.u32 s1, $0x2  }
0xbb: {  	s3 =	sand.u32 $0x4000, s31;
	s1 =	sadd.s32 s1, s30  }
0xbc: {  	s0 =	sor.u32 s3, s0;
	s1 =	sshll.u32 s1, $0x11  }
0xbd: {  	s0 =	sor.u32 s1, s0  }
0xbe: {  	s0 =	sadd.s32 $0x8F2B, s0  }
0xbf: {  	[sflag:s0] =	ssyncadd.remote.s32 $0x1  }
0xc0: {  	_ =	sfence.sel $0xFFFF  }
0xc1: {  	[dreg:$0x0] =	wrdreg $0xFFFFFFFF;
	(pc) =	sbr.abs _section_cstart, $3  }
0xc2: {  	[dreg:$0x1] =	wrdreg $0xFFFFFFFF  }
0xc3: {  	_ =	task.clear_ibuf [dreg:s8], $0x2FFFF;
	_ =	strace $0x9FFFFFFF  }
0xc4: {  	(tm) =	ssettm $0x7FFFFFFF  }
0xc5: {  	_ =	shalt  }
tec
execute0_lowered:
.L_overlay_start_1:
0x0: {  	(tag) =	ssettag $0x1  }
0x1: {  	s3 =	rddreg [dreg:$0x0]  }
0x2: {  	s5 =	rddreg [dreg:$0x1]  }
0x3: {  	s6 =	rddreg [dreg:$0x2]  }
0x4: {  	s1 =	srdreg.scid;
	s0 =	rddreg [dreg:$0x3]  }
0x5: {  	s2 =	simm.s32 $0x0;
	s12 =	simm.s32 $0x80;
	s13 =	simm.s32 $0x400  }
0x6: {  	s14 =	simm.s32 $0x0;
	s4 =	sand.u32 $0x1, s1;
	[smem:$0x7FF] =	sst s2  }
0x7: {  	s1 =	stileid.u32;
	s7 =	sshll.u32 s4, $0x4;
	_ =	strace $0x80000047  }
0x8: {  	s4 =	ssub.s32 $0x2, s4;
	s9 =	sshll.u32 s1, $0x7;
	s7 =	sor.u32 s1, s7  }
0x9: {  	v0 =	vimm.s32 $0xFFEDCBA9;
	v1 =	vimm.s32 $0x87654321;
	s11 =	sshrl.u32 s4, $0x1;
	s8 =	smul.u32 $0x4E2, s7;
	s7 =	sshrl.u32 s7, $0x3  }
0xa: {  	v0 =	vunpack.c.l.s4.s8 v0;
	v1 =	vunpack.c.l.s4.s8 v1;
	s9 =	sand.u32 $0x380, s9;
	s11 =	ssub.s32 s4, s11;
	s7 =	smul.u32 $0x14000, s7  }
0xb: {  	s10 =	sadd.s32 s8, s3;
	s3 =	sadd.s32 $0x200, s3;
	s5 =	sadd.s32 s5, s8  }
0xc: {  	v2 =	vunpack.c.0.s8.s32 v0;
	v1 =	vunpack.c.0.s8.s32 v1;
	s8 =	simm.s32 $0x1;
	s7 =	sor.u32 s9, s7;
	s4 =	sadd.s32 $0x400, s10  }
0xd: {  	s9 =	simm.s32 $0x2780;
	s10 =	simm.s32 $0x7700;
	s7 =	sshrl.u32 s7, $0x3  }
0xe: {  	vm0 =	vcmask $0x3F3C;
	v0 =	vimm.f32 $0.0e+00;
	v1 =	vcombine.low v1, v2;
	s6 =	sadd.s32 s6, s7;
	s7 =	smax.u32 s11, $0x1;
	s11 =	simm.s32 $0x4F00  }
.LBB2_1:
0xf: {  	[tilespmem:s2], [sflag:$0x1] =	stream.linear.gather [hbm4b:s4+s2], $0x2710, $0x38;
	[tilespmem:$0x7780] =	vst v63  }
0x10: {  	_ =	swait.ge [sflag:s8], $0x2710  }
0x11: {  	[sflag:s8] =	ssyncset.done $0x0  }
0x12: {  	[sflag:s8] =	ssyncadd.s32 $0xFFFFD8F0  }
0x13: {  	[tilespmem:s9], [sflag:$0x1] =	stream.linear.gather [hbm4b:s5+s2], $0x2710, $0x38;
	[tilespmem:$0x7780] =	vst v63  }
0x14: {  	_ =	swait.ge [sflag:s8], $0x2710  }
0x15: {  	[sflag:s8] =	ssyncset.done $0x0  }
0x16: {  	[sflag:s8] =	ssyncadd.s32 $0xFFFFD8F0  }
0x17: {  	[tilespmem:s10], [sflag:$0x1] =	stream.linear.gather [hbm4b:s3+s2], $0x10, $0x38;
	[tilespmem:$0x7780] =	vst v63  }
0x18: {  	_ =	swait.ge [sflag:s8], $0x10  }
0x19: {  	[sflag:s8] =	ssyncset.done $0x0  }
0x1a: {  	[sflag:s8] =	ssyncadd.s32 $0xFFFFFFF0  }
0x1b: {  	s15 =	simm.s32 $0x0;
	v2 =	vld [tilespmem:$0x7700]  }
.LBB2_2:
0x1c: {  	p0 =	sne.s32 s15, $0x9FC0  }
.Ltmp0:
0x1d: {  	_ = 	snop;
	(pc) =	sbr.rel @p0 .LBB2_2-.Ltmp0, $3  }
0x1e: {  	_ =	sdelay $0x1  }
0x1f: {  	s16 =	sshra.s32 s15, $0x2  }
0x20: {  	s15 =	sadd.s32 $0x40, s15;
	[tilespmem:s16+$0x4F00] =	vst v0  }
0x21: {  	s16 =	simm.s32 $0x0;
	s15 =	simm.s32 $0x40  }
.LBB2_4:
0x22: {  	p0 =	sne.s32 s15, $0x9C00;
	v3 =	vld [tilespmem:s16+$0x0];
	_ =	sdelay $0x4  }
0x23: {  	v3 =	vsub.f32 v3, v2;
	_ =	sdelay $0x1  }
0x24: {  	v3 =	vmul.f32 $1.442695020e+00, v3;
	_ =	sdelay $0x1  }
0x25: {  	(erf) = vpow2.f32 v3;
	_ =	sdelay $0x6  }
0x26: {  	v3 =	vld [tilespmem:s16+$0x2780];
	_ =	sdelay $0x1  }
0x27: {  	v4 =	vpop (erf)  }
0x28: {  	(xrf2) =	vadd.scan.msk.f32 $0xffff, v4;
	_ =	sdelay $0x1  }
0x29: {  	v4 =	vperm.xlane v3, v1;
	_ =	sdelay $0x1  }
0x2a: {  	vm1 =	vne.s32 v3, v4  }
0x2b: {  	vm2 =	vmor vm1, vm0;
	_ =	sdelay $0x3  }
.Ltmp1:
0x2c: {  	(pc) =	sbr.rel @p0 .LBB2_4-.Ltmp1, $3  }
0x2d: {  	v5, _, _ =	vpop (xrf2)  }
0x2e: {  	[tilespmem:v3+s11+$0x0] =	vst.idx.add.f32.msk vm2, v5;
	v3 =	vsub.f32 $0.0e+00, v5;
	_ =	sdelay $0x1  }
0x2f: {  	s16 =	sshra.s32 s15, $0x2;
	s15 =	sadd.s32 $0x40, s15;
	[tilespmem:v4+s11+$0x0] =	vst.idx.add.f32.msk vm1, v3  }
0x30: {  	v3 =	vld [tilespmem:s16+$0x0];
	_ =	sdelay $0x4  }
0x31: {  	v2 =	vsub.f32 v3, v2;
	_ =	sdelay $0x1  }
0x32: {  	v2 =	vmul.f32 $1.442695020e+00, v2;
	_ =	sdelay $0x1  }
0x33: {  	(erf) = vpow2.f32 v2;
	_ =	sdelay $0x7  }
0x34: {  	v2 =	vld [tilespmem:s16+$0x2780]  }
0x35: {  	v3 =	vpop (erf)  }
0x36: {  	(xrf2) =	vadd.scan.msk.f32 $0xffff, v3;
	_ =	sdelay $0x2  }
0x37: {  	v3 =	vperm.xlane v2, v1;
	_ =	sdelay $0x1  }
0x38: {  	vm1 =	vne.s32 v2, v3  }
0x39: {  	vm2 =	vmor vm1, vm0;
	_ =	sdelay $0x3  }
0x3a: {  	v4, _, _ =	vpop (xrf2)  }
0x3b: {  	s14 =	sadd.s32 $0x1, s14;
	v5 =	vsub.f32 $0.0e+00, v4  }
0x3c: {  	p0 =	sne.s32 s14, s7;
	[tilespmem:v2+s11+$0x0] =	vst.idx.add.f32.msk vm2, v4  }
.Ltmp2:
0x3d: {  	[tilespmem:v3+s11+$0x0] =	vst.idx.add.f32.msk vm1, v5;
	(pc) =	sbr.rel @p0 .LBB2_1-.Ltmp2, $4  }
0x3e: {  	[hbm4b:s6+s12] =	stream.strided.scatter [tilespmem:s11], [sflag:$0x1], $0x2800, s13, s12, $0x38;
	[tilespmem:$0x7780] =	vst v63  }
0x3f: {  	_ =	swait.ge [sflag:s8], $0x2800  }
0x40: {  	[sflag:s8] =	ssyncset.done $0x0  }
0x41: {  	[sflag:s8] =	ssyncadd.s32 $0xFFFFD800  }
0x42: {  	_ =	sfence.sel $0x180000  }
0x43: {  	[bflag:$0x0] =	sbarrier.arrive $0xFFFF  }
0x44: {  	p0 =	sne.s32 s1, $0x0;
	_ =	strace $0x90000047  }
0x45: {  	s0 =	sadd.s32 @!p0 $0x100000, s0;
	[bflag:$0x2] =	sbarrier.arrive $0xFFFF  }
0x46: {  	[sflag:s0] =	ssyncadd.tile.s32 @!p0 $0x1;
	_ =	shalt  }
.Lfunc_end2:
_tile_overlayer_lowered:
.L_overlay_start_2:
0x47: {  	(tag) =	ssettag $0x2  }
0x48: {  	s0 =	rddreg [dreg:$0x0];
	s2 =	stileid.u32  }
0x49: {  	s1 =	rddreg [dreg:$0x1];
	p0 =	sne.s32 s2, $0x0  }
0x4a: {  	s3 =	rddreg [dreg:$0x2];
	[bflag:$0x3] =	sbarrier.arrive $0xFFFF;
	s2 =	simm.s32 @!p0 $0x1C01  }
0x4b: {  	[timem:s3], [sflag:s2] =	dma.local @!p0 [hbm:s0], s1  }
0x4c: {  	s0 =	simm.s32 @!p0 $0x1  }
0x4d: {  	_ =	swait.ge @!p0 [sflag:s0], s1  }
0x4e: {  	s1 =	ssub.s32 @!p0 $0x0, s1;
	[sflag:s0] =	ssyncset.done @!p0 $0x0  }
0x4f: {  	[sflag:s0] =	ssyncadd.s32 @!p0 s1  }
0x50: {  	[bflag:$0x3] =	sbarrier.arrive $0xFFFF  }
0x51: {  	_ =	shalt  }

</sc_bundles>
